<compile_context>
chip_gen: v7x
topology: tpu7x:2x2x1
jax: 0.10.2.dev20260603
libtpu: 0.0.44.dev20260713+nightly
codegen_flags: <defaults>
</compile_context>

<pallas_src>
import functools
import jax
import jax.numpy as jnp
from jax import lax
from jax.experimental import pallas as pl
from jax.experimental.pallas import tpu as pltpu, tpu_sc as plsc

B, C, H, W = 8, 96, 384, 384

NW = 32
ROWS = B * C
RPW = 6
NCHUNK = 4

RB = 8
NJ = H // RB

mesh = plsc.VectorSubcoreMesh(core_axis_name="c", subcore_axis_name="s")


@functools.partial(
    pl.kernel,
    mesh=mesh,
    out_type=jax.ShapeDtypeStruct((NW, 16), jnp.float32),
    scratch_types=[
        pltpu.VMEM((96, W), jnp.float32),
        pltpu.VMEM((16,), jnp.float32),
        pltpu.SemaphoreType.DMA,
    ],
)
def _sc_stream(x_hbm, out_hbm, buf, ovec, sem):
    cidx = lax.axis_index("c")
    sidx = lax.axis_index("s")
    w = sidx * 2 + cidx

    def body(t, carry):
        r = w * RPW + t // NCHUNK
        q = t % NCHUNK
        b = r // C
        c = r % C
        pltpu.async_copy(x_hbm.at[b, c, pl.ds(q * 96, 96)], buf, sem).wait()
        return carry

    lax.fori_loop(0, RPW * NCHUNK, body, jnp.int32(0))
    ovec[...] = jnp.zeros((16,), jnp.float32)
    pltpu.sync_copy(ovec, out_hbm.at[w])


def _reduce_body(x_ref, sums_ref):
    @pl.when(pl.program_id(0) == 0)
    def _():
        sums_ref[...] = jnp.zeros_like(sums_ref)

    sums_ref[...] += jnp.sum(x_ref[...], axis=(2, 3))


def kernel(x, W1, W2, b2):
    s = _sc_stream(x)
    pooled = pl.pallas_call(
        _reduce_body,
        grid=(NJ,),
        in_specs=[pl.BlockSpec((B, C, RB, W), lambda j: (0, 0, j, 0))],
        out_specs=pl.BlockSpec((B, C), lambda j: (0, 0)),
        out_shape=jax.ShapeDtypeStruct((B, C), jnp.float32),
    )(x)
    return pooled, s

# --- scband reference (transcript-rebuilt; emitter-appended) ---
"""Pipeline reference for scband-advanced-routing-layer-10909216932612 (READ-ONLY COPY).

The authoritative reference and input builder live on the scoring server;
editing this copy changes nothing except your own understanding.
"""

import jax, jax.numpy as jnp
import numpy as np

B, C, H, W = 8, 96, 384, 384
E = 8
K = 2
REDUCED = max(C // 8, 8)  # 12

def setup_inputs(seed: int = 0) -> dict:
    key = jax.random.key(seed)
    k1, k2, k3, k4 = jax.random.split(key, 4)
    x = jax.random.normal(k1, (B, C, H, W), dtype=jnp.float32)
    # router[0]: Conv2d(C, reduced, 1, bias=False) -> weight [reduced, C]
    W1 = jax.random.normal(k2, (REDUCED, C), dtype=jnp.float32) * (1.0 / np.sqrt(C))
    # router[2]: Conv2d(reduced, num_experts, 1, bias=True)
    W2 = jax.random.normal(k3, (E, REDUCED), dtype=jnp.float32) * (1.0 / np.sqrt(REDUCED))
    b2 = jax.random.normal(k4, (E,), dtype=jnp.float32) * 0.01
    return {"x": x, "W1": W1, "W2": W2, "b2": b2}

def reference(x, W1, W2, b2):
    b, c, h, w = x.shape
    # AdaptiveAvgPool2d(1) -> global average pool
    pooled = jnp.mean(x, axis=(2, 3))  # [B, C]
    # 1x1 convs on a [B, C, 1, 1] tensor == dense matmuls
    hidden = jax.nn.silu(pooled @ W1.T)          # [B, reduced]
    logits = hidden @ W2.T + b2[None, :]          # [B, E]
    probs = jax.nn.softmax(logits, axis=1)        # [B, E]
    e = probs.shape[1]
    k = max(1, min(K, e))
    if k < e:
        vals, idx = jax.lax.top_k(probs, k)       # [B, k]
        vals = vals / (jnp.sum(vals, axis=1, keepdims=True) + 1e-06)
        weights = jnp.zeros_like(probs)
        rows = jnp.arange(b)[:, None]
        weights = weights.at[rows, idx].set(vals)
    else:
        weights = probs
    # weights.repeat(1, 1, H, W) on a [B, E, 1, 1] view -> broadcast to [B, E, H, W]
    out = jnp.broadcast_to(weights[:, :, None, None], (b, e, h, w))
    return out

if __name__ == "__main__":
    import jax
    _d = setup_inputs()
    print(jax.jit(kernel)(*tuple(_d.values())))

</pallas_src>

<mosaic_0001>
#map = affine_map<(d0, d1) -> (0, 0, 0, 0)>
#map1 = affine_map<(d0, d1) -> (0, 0)>
module attributes {stable_mosaic.version = 14 : i64} {
  func.func @_sc_stream(%arg0: i32, %arg1: i32, %arg2: memref<8x96x384x384xf32, #tpu.memory_space<hbm>>, %arg3: memref<32x16xf32, #tpu.memory_space<hbm>>, %arg4: memref<96x384xf32, #tpu.memory_space<vmem>>, %arg5: memref<16xf32, #tpu.memory_space<vmem>>, %arg6: memref<!tpu.dma_semaphore, #tpu.memory_space<semaphore_mem>>) attributes {dimension_semantics = [#tpu.dimension_semantics<core_parallel>, #tpu.dimension_semantics<subcore_parallel>], iteration_bounds = array<i64: 2, 16>, scalar_prefetch = 0 : i64, scratch_operands = 3 : i64, tpu.core_type = #tpu.core_type<sc_vector_subcore>, window_params = [{transform_indices = #map}, {transform_indices = #map1}]} {
    %mul3A = arith.constant 2 : i32
    %mul3A_0 = arith.muli %arg1, %mul3A : i32
    %add3A = arith.addi %mul3A_0, %arg0 : i32
    %scan3A = arith.constant 0 : i32
    %scan3A_1 = arith.constant 0 : i32
    %scan3A_2 = arith.constant 24 : i32
    %scan3A_3 = arith.addi %scan3A_1, %scan3A_2 : i32
    %scan3A_4 = arith.constant 1 : i32
    scf.for %scan3A_10 = %scan3A_1 to %scan3A_3 step %scan3A_4  : i32 {
      %mul3A_11 = arith.constant 6 : i32
      %mul3A_12 = arith.muli %add3A, %mul3A_11 : i32
      %jit3A = arith.constant 4 : i32
      %div3A = arith.divsi %scan3A_10, %jit3A : i32
      %sign3A = arith.constant 0 : i32
      %sign3A_13 = arith.cmpi sgt, %scan3A_10, %sign3A : i32
      %sign3A_14 = arith.extui %sign3A_13 : i1 to i32
      %sign3A_15 = arith.constant 0 : i32
      %sign3A_16 = arith.cmpi slt, %scan3A_10, %sign3A_15 : i32
      %sign3A_17 = arith.extui %sign3A_16 : i1 to i32
      %sign3A_18 = arith.subi %sign3A_14, %sign3A_17 : i32
      %sign3A_19 = arith.constant 0 : i32
      %sign3A_20 = arith.cmpi sgt, %jit3A, %sign3A_19 : i32
      %sign3A_21 = arith.extui %sign3A_20 : i1 to i32
      %sign3A_22 = arith.constant 0 : i32
      %sign3A_23 = arith.cmpi slt, %jit3A, %sign3A_22 : i32
      %sign3A_24 = arith.extui %sign3A_23 : i1 to i32
      %sign3A_25 = arith.subi %sign3A_21, %sign3A_24 : i32
      %ne3A = arith.cmpi ne, %sign3A_18, %sign3A_25 : i32
      %rem3A = arith.remsi %scan3A_10, %jit3A : i32
      %ne3A_26 = arith.constant 0 : i32
      %ne3A_27 = arith.cmpi ne, %rem3A, %ne3A_26 : i32
      %and3A = arith.andi %ne3A, %ne3A_27 : i1
      %sub3A = arith.constant 1 : i32
      %sub3A_28 = arith.subi %div3A, %sub3A : i32
      %select_n3A = arith.select %and3A, %sub3A_28, %div3A : i32
      %add3A_29 = arith.addi %mul3A_12, %select_n3A : i32
      %jit3A_30 = arith.constant 4 : i32
      %eq3A = arith.constant 0 : i32
      %eq3A_31 = arith.cmpi eq, %jit3A_30, %eq3A : i32
      %jit3A_32 = arith.constant 1 : i32
      %select_n3A_33 = arith.select %eq3A_31, %jit3A_32, %jit3A_30 : i32
      %rem3A_34 = arith.remsi %scan3A_10, %select_n3A_33 : i32
      %ne3A_35 = arith.constant 0 : i32
      %ne3A_36 = arith.cmpi ne, %rem3A_34, %ne3A_35 : i32
      %lt3A = arith.constant 0 : i32
      %lt3A_37 = arith.cmpi slt, %rem3A_34, %lt3A : i32
      %lt3A_38 = arith.constant 0 : i32
      %lt3A_39 = arith.cmpi slt, %select_n3A_33, %lt3A_38 : i32
      %ne3A_40 = arith.xori %lt3A_37, %lt3A_39 : i1
      %and3A_41 = arith.andi %ne3A_40, %ne3A_36 : i1
      %add3A_42 = arith.addi %rem3A_34, %select_n3A_33 : i32
      %select_n3A_43 = arith.select %and3A_41, %add3A_42, %rem3A_34 : i32
      %jit3A_44 = arith.constant 96 : i32
      %div3A_45 = arith.divsi %add3A_29, %jit3A_44 : i32
      %sign3A_46 = arith.constant 0 : i32
      %sign3A_47 = arith.cmpi sgt, %add3A_29, %sign3A_46 : i32
      %sign3A_48 = arith.extui %sign3A_47 : i1 to i32
      %sign3A_49 = arith.constant 0 : i32
      %sign3A_50 = arith.cmpi slt, %add3A_29, %sign3A_49 : i32
      %sign3A_51 = arith.extui %sign3A_50 : i1 to i32
      %sign3A_52 = arith.subi %sign3A_48, %sign3A_51 : i32
      %sign3A_53 = arith.constant 0 : i32
      %sign3A_54 = arith.cmpi sgt, %jit3A_44, %sign3A_53 : i32
      %sign3A_55 = arith.extui %sign3A_54 : i1 to i32
      %sign3A_56 = arith.constant 0 : i32
      %sign3A_57 = arith.cmpi slt, %jit3A_44, %sign3A_56 : i32
      %sign3A_58 = arith.extui %sign3A_57 : i1 to i32
      %sign3A_59 = arith.subi %sign3A_55, %sign3A_58 : i32
      %ne3A_60 = arith.cmpi ne, %sign3A_52, %sign3A_59 : i32
      %rem3A_61 = arith.remsi %add3A_29, %jit3A_44 : i32
      %ne3A_62 = arith.constant 0 : i32
      %ne3A_63 = arith.cmpi ne, %rem3A_61, %ne3A_62 : i32
      %and3A_64 = arith.andi %ne3A_60, %ne3A_63 : i1
      %sub3A_65 = arith.constant 1 : i32
      %sub3A_66 = arith.subi %div3A_45, %sub3A_65 : i32
      %select_n3A_67 = arith.select %and3A_64, %sub3A_66, %div3A_45 : i32
      %jit3A_68 = arith.constant 96 : i32
      %eq3A_69 = arith.constant 0 : i32
      %eq3A_70 = arith.cmpi eq, %jit3A_68, %eq3A_69 : i32
      %jit3A_71 = arith.constant 1 : i32
      %select_n3A_72 = arith.select %eq3A_70, %jit3A_71, %jit3A_68 : i32
      %rem3A_73 = arith.remsi %add3A_29, %select_n3A_72 : i32
      %ne3A_74 = arith.constant 0 : i32
      %ne3A_75 = arith.cmpi ne, %rem3A_73, %ne3A_74 : i32
      %lt3A_76 = arith.constant 0 : i32
      %lt3A_77 = arith.cmpi slt, %rem3A_73, %lt3A_76 : i32
      %lt3A_78 = arith.constant 0 : i32
      %lt3A_79 = arith.cmpi slt, %select_n3A_72, %lt3A_78 : i32
      %ne3A_80 = arith.xori %lt3A_77, %lt3A_79 : i1
      %and3A_81 = arith.andi %ne3A_80, %ne3A_75 : i1
      %add3A_82 = arith.addi %rem3A_73, %select_n3A_72 : i32
      %select_n3A_83 = arith.select %and3A_81, %add3A_82, %rem3A_73 : i32
      %mul3A_84 = arith.constant 96 : i32
      %mul3A_85 = arith.muli %select_n3A_43, %mul3A_84 : i32
      %dma_start3A = arith.constant 0 : i32
      %dma_start3A_86 = tpu.memref_slice %arg2[%select_n3A_67, %select_n3A_83, %mul3A_85, %dma_start3A] : memref<8x96x384x384xf32, #tpu.memory_space<hbm>> -> memref<1x1x96x384xf32, #tpu.memory_space<hbm>>
      %dma_start3A_87 = tpu.memref_squeeze %dma_start3A_86 : memref<1x1x96x384xf32, #tpu.memory_space<hbm>> -> memref<96x384xf32, #tpu.memory_space<hbm>>
      %dma_start3A_88 = arith.constant 0 : i32
      %dma_start3A_89 = tpu.memref_slice %arg2[%select_n3A_67, %select_n3A_83, %mul3A_85, %dma_start3A_88] : memref<8x96x384x384xf32, #tpu.memory_space<hbm>> -> memref<1x1x96x384xf32, #tpu.memory_space<hbm>>
      %dma_start3A_90 = tpu.memref_squeeze %dma_start3A_89 : memref<1x1x96x384xf32, #tpu.memory_space<hbm>> -> memref<96x384xf32, #tpu.memory_space<hbm>>
      tpu.enqueue_dma source(%dma_start3A_90 : memref<96x384xf32, #tpu.memory_space<hbm>>) target(%arg4 : memref<96x384xf32, #tpu.memory_space<vmem>>) target_semaphore(%arg6 : memref<!tpu.dma_semaphore, #tpu.memory_space<semaphore_mem>>)
      %dma_wait3A = arith.constant 0 : i32
      %dma_wait3A_91 = tpu.memref_slice %arg2[%select_n3A_67, %select_n3A_83, %mul3A_85, %dma_wait3A] : memref<8x96x384x384xf32, #tpu.memory_space<hbm>> -> memref<1x1x96x384xf32, #tpu.memory_space<hbm>>
      %dma_wait3A_92 = tpu.memref_squeeze %dma_wait3A_91 : memref<1x1x96x384xf32, #tpu.memory_space<hbm>> -> memref<96x384xf32, #tpu.memory_space<hbm>>
      %dma_wait3A_93 = arith.constant 0 : i32
      %dma_wait3A_94 = tpu.memref_slice %arg2[%select_n3A_67, %select_n3A_83, %mul3A_85, %dma_wait3A_93] : memref<8x96x384x384xf32, #tpu.memory_space<hbm>> -> memref<1x1x96x384xf32, #tpu.memory_space<hbm>>
      %dma_wait3A_95 = tpu.memref_squeeze %dma_wait3A_94 : memref<1x1x96x384xf32, #tpu.memory_space<hbm>> -> memref<96x384xf32, #tpu.memory_space<hbm>>
      tpu.wait_dma2 semaphore(%arg6 : memref<!tpu.dma_semaphore, #tpu.memory_space<semaphore_mem>>) src(%dma_wait3A_95 : memref<96x384xf32, #tpu.memory_space<hbm>>) dst(%arg4 : memref<96x384xf32, #tpu.memory_space<vmem>>)
    }
    %scan3A_5 = arith.constant 24 : i32
    %broadcast_in_dim3A = arith.constant 0.000000e+00 : f32
    %broadcast_in_dim3A_6 = vector.broadcast %broadcast_in_dim3A : f32 to vector<16xf32>
    %swap3A = arith.constant 0 : index
    %swap3A_7 = tpu.vector_load %arg5[%swap3A] {strides = array<i32>} : memref<16xf32, #tpu.memory_space<vmem>>, vector<16xf32>,
    %swap3A_8 = vector.shape_cast %swap3A_7 : vector<16xf32> to vector<16xf32>
    %swap3A_9 = vector.shape_cast %broadcast_in_dim3A_6 : vector<16xf32> to vector<16xf32>
    tpu.vector_store %arg5[%swap3A], %swap3A_9 {strides = array<i32>} : memref<16xf32, #tpu.memory_space<vmem>>, vector<16xf32>,
    "tpu.region"() ({
      %run_scoped3A = tpu.sem_alloc : memref<!tpu.dma_semaphore, #tpu.memory_space<semaphore_mem>>
      %dma_start3A = arith.constant 0 : i32
      %dma_start3A_10 = tpu.memref_slice %arg3[%add3A, %dma_start3A] : memref<32x16xf32, #tpu.memory_space<hbm>> -> memref<1x16xf32, #tpu.memory_space<hbm>>
      %dma_start3A_11 = tpu.memref_squeeze %dma_start3A_10 : memref<1x16xf32, #tpu.memory_space<hbm>> -> memref<16xf32, #tpu.memory_space<hbm>>
      %dma_start3A_12 = arith.constant 0 : i32
      %dma_start3A_13 = tpu.memref_slice %arg3[%add3A, %dma_start3A_12] : memref<32x16xf32, #tpu.memory_space<hbm>> -> memref<1x16xf32, #tpu.memory_space<hbm>>
      %dma_start3A_14 = tpu.memref_squeeze %dma_start3A_13 : memref<1x16xf32, #tpu.memory_space<hbm>> -> memref<16xf32, #tpu.memory_space<hbm>>
      tpu.enqueue_dma source(%arg5 : memref<16xf32, #tpu.memory_space<vmem>>) target(%dma_start3A_14 : memref<16xf32, #tpu.memory_space<hbm>>) target_semaphore(%run_scoped3A : memref<!tpu.dma_semaphore, #tpu.memory_space<semaphore_mem>>)
      %dma_wait3A = arith.constant 0 : i32
      %dma_wait3A_15 = tpu.memref_slice %arg3[%add3A, %dma_wait3A] : memref<32x16xf32, #tpu.memory_space<hbm>> -> memref<1x16xf32, #tpu.memory_space<hbm>>
      %dma_wait3A_16 = tpu.memref_squeeze %dma_wait3A_15 : memref<1x16xf32, #tpu.memory_space<hbm>> -> memref<16xf32, #tpu.memory_space<hbm>>
      %dma_wait3A_17 = arith.constant 0 : i32
      %dma_wait3A_18 = tpu.memref_slice %arg3[%add3A, %dma_wait3A_17] : memref<32x16xf32, #tpu.memory_space<hbm>> -> memref<1x16xf32, #tpu.memory_space<hbm>>
      %dma_wait3A_19 = tpu.memref_squeeze %dma_wait3A_18 : memref<1x16xf32, #tpu.memory_space<hbm>> -> memref<16xf32, #tpu.memory_space<hbm>>
      tpu.wait_dma2 semaphore(%run_scoped3A : memref<!tpu.dma_semaphore, #tpu.memory_space<semaphore_mem>>) src(%arg5 : memref<16xf32, #tpu.memory_space<vmem>>) dst(%dma_wait3A_19 : memref<16xf32, #tpu.memory_space<hbm>>)
      tpu.yield
    }) : () -> ()
    return
  }
}

module attributes {stable_mosaic.version = 14 : i64} {
  func.func @_reduce_body(%arg0: i32, %arg1: memref<8x96x8x384xf32, #tpu.memory_space<vmem>>, %arg2: memref<8x96xf32, #tpu.memory_space<vmem>>) attributes {dimension_semantics = [#tpu.dimension_semantics<arbitrary>], iteration_bounds = array<i64: 48>, scalar_prefetch = 0 : i64, scratch_operands = 0 : i64, tpu.core_type = #tpu.core_type<tc>, window_params = [{transform_indices = @transform_0, window_bounds = array<i64: 8, 96, 8, 384>}, {pipeline_mode = #tpu.pipeline_mode<synchronous>, transform_indices = @transform_1, window_bounds = array<i64: 8, 96>}]} {
    %eq3A = arith.constant 0 : i32
    %eq3A_0 = arith.cmpi eq, %arg0, %eq3A : i32
    %convert_element_type3A = arith.extui %eq3A_0 : i1 to i32
    %cond3A = arith.constant 0 : i32
    %cond3A_1 = arith.cmpi ne, %convert_element_type3A, %cond3A : i32
    scf.if %cond3A_1 {
      %broadcast_in_dim3A = arith.constant 0.000000e+00 : f32
      %broadcast_in_dim3A_12 = vector.broadcast %broadcast_in_dim3A : f32 to vector<8x96xf32>
      %swap3A_13 = arith.constant 0 : index
      %swap3A_14 = arith.constant 0 : index
      %swap3A_15 = vector.load %arg2[%swap3A_13, %swap3A_14] : memref<8x96xf32, #tpu.memory_space<vmem>>, vector<8x96xf32>
      tpu.vector_store %arg2[%swap3A_13, %swap3A_14], %broadcast_in_dim3A_12 {strides = array<i32>} : memref<8x96xf32, #tpu.memory_space<vmem>>, vector<8x96xf32>,
    } else {
    }
    %get3A = arith.constant 0 : index
    %get3A_2 = arith.constant 0 : index
    %get3A_3 = vector.load %arg2[%get3A, %get3A_2] : memref<8x96xf32, #tpu.memory_space<vmem>>, vector<8x96xf32>
    %get3A_4 = arith.constant 0 : index
    %get3A_5 = arith.constant 0 : index
    %get3A_6 = arith.constant 0 : index
    %get3A_7 = arith.constant 0 : index
    %get3A_8 = vector.load %arg1[%get3A_4, %get3A_5, %get3A_6, %get3A_7] : memref<8x96x8x384xf32, #tpu.memory_space<vmem>>, vector<8x96x8x384xf32>
    %reduce_sum3A = arith.constant dense<0.000000e+00> : vector<8x96xf32>
    %reduce_sum3A_9 = vector.multi_reduction <add>, %get3A_8, %reduce_sum3A [2, 3] : vector<8x96x8x384xf32> to vector<8x96xf32>
    %add3A = arith.addf %get3A_3, %reduce_sum3A_9 : vector<8x96xf32>
    %swap3A = arith.constant 0 : index
    %swap3A_10 = arith.constant 0 : index
    %swap3A_11 = vector.load %arg2[%swap3A, %swap3A_10] : memref<8x96xf32, #tpu.memory_space<vmem>>, vector<8x96xf32>
    tpu.vector_store %arg2[%swap3A, %swap3A_10], %add3A {strides = array<i32>} : memref<8x96xf32, #tpu.memory_space<vmem>>, vector<8x96xf32>,
    return
  }
  func.func @transform_0(%arg0: i32) -> (i32, i32, i32, i32) {
    %c0_i32 = arith.constant 0 : i32
    %c0_i32_0 = arith.constant 0 : i32
    %c0_i32_1 = arith.constant 0 : i32
    %c0_i32_2 = arith.constant 0 : i32
    return %c0_i32, %c0_i32_0, %arg0, %c0_i32_1 : i32, i32, i32, i32
  }
  func.func @transform_1(%arg0: i32) -> (i32, i32) {
    %c0_i32 = arith.constant 0 : i32
    %c0_i32_0 = arith.constant 0 : i32
    %c0_i32_1 = arith.constant 0 : i32
    return %c0_i32, %c0_i32_0 : i32, i32
  }
}

</mosaic_0001>

<sc_bundles>
// kernel: kernel.4.cloned.1.call-start
scs
__scs_entry_jumppad:
0x0: {  	(pc) =	sbr.rel $0x88, $3  }
0x1: {  	(tag) =	ssettag $0x0;
	lr =	simm.s32 $0x1  }
0x2: {  	[smem:$0x3FA0] =	sst lr;
	_ =	strace $0xD0000000  }
0x3: {  	_ = 	snop  }
0x4: {  	_ = 	snop  }
0x5: {  	_ = 	snop  }
0x6: {  	_ = 	snop  }
0x7: {  	_ = 	snop  }
__scs_overlays_trampoline_lowered:
0x8: {  	[smem:$0x3FAF] =	sst s0  }
0x9: {  	[smem:$0x3FB0] =	sst s1  }
0xa: {  	[smem:$0x3FB1] =	sst s2  }
0xb: {  	[smem:$0x3FB2] =	sst s3  }
0xc: {  	[smem:$0x3FB3] =	sst s4  }
0xd: {  	[smem:$0x3FB4] =	sst s5  }
0xe: {  	[smem:$0x3FB5] =	sst s6  }
0xf: {  	[smem:$0x3FB6] =	sst s7  }
0x10: {  	[smem:$0x3FB7] =	sst s8  }
0x11: {  	[smem:$0x3FB8] =	sst s9;
	s0 =	simm.s32 @!p0 $0x0  }
0x12: {  	s1 =	sld [smem:$0x3F9E];
	s0 =	simm.s32 @p0 $0x1  }
0x13: {  	[smem:$0x3FB9] =	sst s0;
	s0 =	simm.s32 @!p1 $0x0  }
0x14: {  	s2 =	sld [smem:$0x3F9D];
	s0 =	simm.s32 @p1 $0x1  }
0x15: {  	[smem:$0x3FBA] =	sst s0;
	s0 =	simm.s32 @!p2 $0x0  }
0x16: {  	s3 =	sld [smem:$0x3FDB];
	s0 =	simm.s32 @p2 $0x1  }
0x17: {  	s4 =	simm.s32 $0x1BF5;
	[smem:$0x3FBC] =	sst s0  }
0x18: {  	s0 =	sld [smem:$0x3F9F];
	_ =	swait.ge [sflag:s4], $0x0  }
0x19: {  	s7 =	sld [smem:$0x3FA0]  }
0x1a: {  	s8 =	sadd.s32 $0xFFFFE003, lr  }
0x1b: {  	s9 =	sadd.s32 $0xFFFFFEF7, lr;
	s5 =	simm.s32 $0xFFFFFFFF;
	p2 =	slt.u32 s8, $0xFFFFF086  }
0x1c: {  	p1 =	slt.u32 s9, $0xF7A;
	s5 =	simm.s32 @!p2 $0x0  }
0x1d: {  	s5 =	simm.s32 @p1 $0x1;
	p0 =	seq.s32 s7, s2  }
0x1e: {  	s7 =	smul.u32 @!p0 $0xF7A, s2;
	p2 =	seq.s32 @!p0 s5, $0x0  }
0x1f: {  	s9 =	smul.u32 $0xF7A, s1;
	s8 =	simm.s32 @!p0 $0x1BF5;
	p2 =	por !p2, p0  }
0x20: {  	[sflag:s8] =	ssyncset.s32 @!p0 $0xFFFFF086;
	s6 =	sadd.s32 @!p0 s3, s7;
	s7 =	simm.s32 @!p0 $0x108  }
0x21: {  	s3 =	sadd.s32 s3, s9;
	s6 =	sadd.s32 @!p0 $0x88, s6;
	s7 =	simm.s32 @p2 $0x1082  }
0x22: {  	[simem:s7], [sflag:s8] =	dma.local @!p0 [hbm:s6], $0xF7A  }
0x23: {  	s9 =	sor.u32 $0xD0000000, s2;
	s6 =	simm.s32 $0x108;
	_ =	swait.ge @!p0 [sflag:s8], $0x0  }
0x24: {  	s3 =	sadd.s32 $0x88, s3;
	s6 =	simm.s32 @!p1 $0x1082;
	[sflag:s4] =	ssyncset.s32 $0xFFFFF086  }
0x25: {  	[simem:s6], [sflag:s4] =	dma.local [hbm:s3], $0xF7A  }
0x26: {  	[smem:$0x3FA0] =	sst s1;
	(tag) =	ssettag s2;
	_ =	strace s9  }
0x27: {  	s1 =	sld [smem:$0x3FB0]  }
0x28: {  	s2 =	sld [smem:$0x3FB1]  }
0x29: {  	s4 =	sld [smem:$0x3FB3]  }
0x2a: {  	p0 =	seq.s32 s5, $0x0;
	s5 =	sld [smem:$0x3FB4]  }
0x2b: {  	s6 =	sld [smem:$0x3FB5]  }
0x2c: {  	s7 =	sld [smem:$0x3FB6]  }
0x2d: {  	s3 =	simm.s32 $0x108;
	s8 =	sld [smem:$0x3FB7]  }
0x2e: {  	s3 =	simm.s32 @!p0 $0x1082;
	s9 =	sld [smem:$0x3FB8]  }
0x2f: {  	lr =	sadd.s32 s0, s3;
	s0 =	sld [smem:$0x3FAF]  }
0x30: {  	s3 =	sld [smem:$0x3FB2]  }
0x31: {  	[smem:$0x3FBB] =	sst s10  }
0x32: {  	s10 =	sld [smem:$0x3FB9];
	_ =	sdelay $0x3  }
0x33: {  	p0 =	seq.s32 s10, $0x1;
	s10 =	sld [smem:$0x3FBB];
	_ =	sdelay $0x3  }
0x34: {  	[smem:$0x3FBB] =	sst s10  }
0x35: {  	s10 =	sld [smem:$0x3FBA];
	_ =	sdelay $0x3  }
0x36: {  	p1 =	seq.s32 s10, $0x1;
	s10 =	sld [smem:$0x3FBB];
	_ =	sdelay $0x3  }
0x37: {  	[smem:$0x3FBB] =	sst s10  }
0x38: {  	s10 =	sld [smem:$0x3FBC]  }
0x39: {  	_ = 	snop;
	(pc) =	sbr.ind lr, $3  }
0x3a: {  	_ = 	snop  }
0x3b: {  	_ = 	snop  }
0x3c: {  	p2 =	seq.s32 s10, $0x1;
	s10 =	sld [smem:$0x3FBB]  }
0x3d: {  	_ =	shalt  }
0x3e: {  	_ =	shalt  }
0x3f: {  	_ =	shalt  }
0x40: {  	_ =	shalt  }
0x41: {  	_ =	shalt  }
0x42: {  	_ =	shalt  }
0x43: {  	_ =	shalt  }
0x44: {  	_ =	shalt  }
0x45: {  	_ =	shalt  }
0x46: {  	_ =	shalt  }
0x47: {  	_ =	shalt  }
0x48: {  	_ =	shalt  }
0x49: {  	_ =	shalt  }
0x4a: {  	_ =	shalt  }
0x4b: {  	_ =	shalt  }
0x4c: {  	_ =	shalt  }
0x4d: {  	_ =	shalt  }
0x4e: {  	_ =	shalt  }
0x4f: {  	_ =	shalt  }
0x50: {  	_ =	shalt  }
0x51: {  	_ =	shalt  }
0x52: {  	_ =	shalt  }
0x53: {  	_ =	shalt  }
0x54: {  	_ =	shalt  }
0x55: {  	_ =	shalt  }
0x56: {  	_ =	shalt  }
0x57: {  	_ =	shalt  }
0x58: {  	_ =	shalt  }
0x59: {  	_ =	shalt  }
0x5a: {  	_ =	shalt  }
0x5b: {  	_ =	shalt  }
0x5c: {  	_ =	shalt  }
0x5d: {  	_ =	shalt  }
0x5e: {  	_ =	shalt  }
0x5f: {  	_ =	shalt  }
0x60: {  	_ =	shalt  }
0x61: {  	_ =	shalt  }
0x62: {  	_ =	shalt  }
0x63: {  	_ =	shalt  }
0x64: {  	_ =	shalt  }
0x65: {  	_ =	shalt  }
0x66: {  	_ =	shalt  }
0x67: {  	_ =	shalt  }
0x68: {  	_ =	shalt  }
0x69: {  	_ =	shalt  }
0x6a: {  	_ =	shalt  }
0x6b: {  	_ =	shalt  }
0x6c: {  	_ =	shalt  }
0x6d: {  	_ =	shalt  }
0x6e: {  	_ =	shalt  }
0x6f: {  	_ =	shalt  }
0x70: {  	_ =	shalt  }
0x71: {  	_ =	shalt  }
0x72: {  	_ =	shalt  }
0x73: {  	_ =	shalt  }
0x74: {  	_ =	shalt  }
0x75: {  	_ =	shalt  }
0x76: {  	_ =	shalt  }
0x77: {  	_ =	shalt  }
0x78: {  	_ =	shalt  }
0x79: {  	_ =	shalt  }
0x7a: {  	_ =	shalt  }
0x7b: {  	_ =	shalt  }
0x7c: {  	_ =	shalt  }
0x7d: {  	_ =	shalt  }
0x7e: {  	_ =	shalt  }
0x7f: {  	_ =	shalt  }
0x80: {  	_ =	shalt  }
0x81: {  	_ =	shalt  }
0x82: {  	_ =	shalt  }
0x83: {  	_ =	shalt  }
0x84: {  	_ =	shalt  }
0x85: {  	_ =	shalt  }
0x86: {  	_ =	shalt  }
0x87: {  	_ =	shalt  }
.Lfunc_end0:
.L_simem_size_0:
called_computation_lowered:
.L_overlay_start_0:
0x88: {  	s2 =	sld [smem:$0x3FD9]  }
0x89: {  	s3 =	sld [smem:$0x3FFE];
	_ =	sdelay $0x1  }
0x8a: {  	s1 =	srdreg.scid  }
0x8b: {  	s0 =	sand.u32 $0x1, s1  }
0x8c: {  	s17 =	sshll.u32 s0, $0xA;
	s2 =	sadd.s32 s3, s2  }
0x8d: {  	s2 =	sadd.s32 s2, s17  }
0x8e: {  	[smem:$0x3FC7] =	sst s2  }
0x8f: {  	_ = 	snop  }
0x90: {  	s2 =	sld [smem:$0x3FC9];
	(tm) =	ssettm $0x1  }
0x91: {  	s18 =	sld [smem:$0x3FFB];
	_ =	sdelay $0x3  }
0x92: {  	_ =	strace s18  }
0x93: {  	s3 =	sld [smem:$0x3FFC];
	_ =	sdelay $0x3  }
0x94: {  	_ =	strace s3  }
0x95: {  	s3 =	sld [smem:$0x3FFD];
	_ =	sdelay $0x3  }
0x96: {  	_ =	strace s3  }
0x97: {  	_ =	strace $0x8FFFFFFF  }
0x98: {  	s19 =	sld [smem:$0x3FDB];
	_ =	sdelay $0x1  }
0x99: {  	s4 =	simm.s32 $_scs_section_size  }
0x9a: {  	s5 =	simm.s32 $_size__tile_overlayer_lowered;
	s6 =	simm.s32 $_tile_overlayer_lowered  }
0x9b: {  	s22 =	simm.s32 $0x1BFF;
	s21 =	sshll.u32 s6, $0x1;
	s3 =	sadd.s32 s4, s19  }
0x9c: {  	s7 =	simm.s32 $0x0;
	s20 =	sshll.u32 s5, $0x1;
	s5 =	sadd.s32 s21, s3  }
0x9d: {  	[timem:s7], [sflag:s22] =	dma.local [hbm:s5], s20  }
0x9e: {  	_ =	swait.ge [sflag:s22], s20  }
0x9f: {  	s4 =	ssub.s32 $0x0, s20;
	[sflag:s22] =	ssyncset.done $0x0  }
0xa0: {  	[sflag:s22] =	ssyncadd.s32 s4;
	_ =	sdelay $0x1  }
0xa1: {  	s23 =	simm.s32 $0x1B8B  }
0xa2: {  	_ =	swait.ge [sflag:s23], $0x1  }
0xa3: {  	[sflag:s23] =	ssyncset.done $0x0  }
0xa4: {  	s25 =	simm.s32 $0x1B8E;
	s24 =	sld [smem:$0x3FFE];
	[sflag:s23] =	ssyncadd.s32 $0xFFFFFFFF  }
0xa5: {  	s26 =	simm.s32 $execute0_lowered;
	[smem:$0x3FD2] =	sst s25  }
0xa6: {  	s5 =	sshll.u32 s26, $0x1;
	_ =	strace $0x80000046;
	[dreg:$0x1] =	wrdreg $0xFFFFFFFF  }
0xa7: {  	s28 =	simm.s32 $_size_execute0_lowered;
	s3 =	sadd.s32 s3, s5;
	[dreg:$0x0] =	wrdreg $0x0  }
0xa8: {  	s5 =	sshll.u32 s28, $0x1;
	[dreg:$0x2] =	wrdreg s3  }
0xa9: {  	[dreg:$0x3] =	wrdreg s5  }
0xaa: {  	[dreg:$0x4] =	wrdreg $0xC0  }
0xab: {  	_ =	task [dreg:s7], $0x5FFFF  }
0xac: {  	[dreg:$0x1] =	wrdreg $0xFFFFFFFF  }
0xad: {  	[dreg:$0x0] =	wrdreg $0x60  }
0xae: {  	[dreg:$0x2] =	wrdreg s2  }
0xaf: {  	[dreg:$0x3] =	wrdreg s24  }
0xb0: {  	[dreg:$0x4] =	wrdreg $0x9  }
0xb1: {  	_ =	task.clear_ibuf [dreg:s7], $0x5FFFF;
	_ =	strace $0x90000046  }
0xb2: {  	s29 =	simm.s32 $0x9;
	_ =	strace $0x80000048  }
0xb3: {  	_ =	swait.ge [sflag:s29], $0x1  }
0xb4: {  	[sflag:s29] =	ssyncadd.s32 $0xFFFFFFFF  }
0xb5: {  	_ =	strace $0x90000048  }
0xb6: {  	_ =	sfence  }
0xb7: {  	s30 =	sld [smem:$0x0];
	_ =	sdelay $0x2  }
0xb8: {  	s31 =	sshll.u32 s1, $0xD;
	s1 =	sshrl.u32 s1, $0x2  }
0xb9: {  	s3 =	sand.u32 $0x4000, s31;
	s1 =	sadd.s32 s1, s30  }
0xba: {  	s0 =	sor.u32 s3, s0;
	s1 =	sshll.u32 s1, $0x11  }
0xbb: {  	s0 =	sor.u32 s1, s0  }
0xbc: {  	s0 =	sadd.s32 $0x8F2B, s0  }
0xbd: {  	[sflag:s0] =	ssyncadd.remote.s32 $0x1  }
0xbe: {  	_ =	sfence.sel $0xFFFF  }
0xbf: {  	[dreg:$0x0] =	wrdreg $0xFFFFFFFF;
	(pc) =	sbr.abs _section_cstart, $3  }
0xc0: {  	[dreg:$0x1] =	wrdreg $0xFFFFFFFF  }
0xc1: {  	_ =	task.clear_ibuf [dreg:s7], $0x2FFFF;
	_ =	strace $0x9FFFFFFF  }
0xc2: {  	(tm) =	ssettm $0x7FFFFFFF  }
0xc3: {  	_ =	shalt  }
tec
execute0_lowered:
.L_overlay_start_1:
0x0: {  	(tag) =	ssettag $0x1  }
0x1: {  	s2 =	rddreg [dreg:$0x0]  }
0x2: {  	s4 =	rddreg [dreg:$0x1]  }
0x3: {  	s0 =	rddreg [dreg:$0x2]  }
0x4: {  	s5 =	srdreg.scid;
	s1 =	stileid.u32  }
0x5: {  	s3 =	simm.s32 $0x0;
	s5 =	sand.u32 $0x1, s5;
	s6 =	sshll.u32 s1, $0x1  }
0x6: {  	s9 =	simm.s32 $0x2;
	s10 =	simm.s32 $0x0;
	s6 =	sor.u32 s5, s6  }
0x7: {  	[smem:$0x7FF] =	sst s3;
	s5 =	ssub.s32 $0x2, s5;
	s7 =	sshll.u32 s6, $0x4  }
0x8: {  	_ =	strace $0x80000047;
	s8 =	sshrl.u32 s5, $0x1;
	s7 =	sadd.s32 s7, s4  }
0x9: {  	s8 =	ssub.s32 s5, s8;
	s4 =	smul.u32 $0x6, s6;
	s5 =	sadd.s32 $0x400, s7  }
0xa: {  	v0 =	vimm.f32 $0.0e+00;
	s6 =	smax.u32 s8, $0x1;
	s7 =	simm.s32 $0x1;
	s8 =	simm.s32 $0x9000  }
.LBB2_1:
0xb: {  	s11 =	sadd.s32 $0x0, s4  }
0xc: {  	s12 =	smulhi.u32 $0x2AAAAAAB, s11;
	_ =	sdelay $0x1  }
0xd: {  	s12 =	sshrl.u32 s12, $0x4  }
0xe: {  	s13 =	smul.u32 $0x60, s12  }
0xf: {  	s14 =	sand.u32 $0x3, s3  }
0x10: {  	s31 =	smul.u32 $0x9000, s14;
	s11 =	ssub.s32 s11, s13  }
0x11: {  	s11 =	smul.u32 $0x24000, s11  }
0x12: {  	s15 =	sadd.s32 $0x0, s4;
	s12 =	smul.u32 $0xD80000, s12  }
0x13: {  	s16 =	smulhi.u32 $0x2AAAAAAB, s15;
	s13 =	sadd.s32 s31, s11  }
0x14: {  	s17 =	simm.s32 $0x1;
	s14 =	simm.s32 $0x3;
	s13 =	sadd.s32 s12, s13  }
0x15: {  	s17 =	sand.u32 $0x3, s17;
	s12 =	sshrl.u32 s16, $0x4;
	s13 =	sshrl.u32 s13, $0x3  }
0x16: {  	s11 =	simm.s32 $0x2;
	s16 =	smul.u32 $0x60, s12;
	s13 =	sadd.s32 s2, s13  }
0x17: {  	[tilespmem:s3], [sflag:$0x1] =	stream.linear.gather [hbm4b:s13+s3], $0x9000, $0x38;
	[tilespmem:$0x9080] =	vst v63  }
0x18: {  	s15 =	ssub.s32 s15, s16;
	s13 =	smul.u32 $0x9000, s17;
	_ =	swait.ge [sflag:s7], $0x9000  }
0x19: {  	s16 =	simm.s32 $0x0;
	s15 =	smul.u32 $0x24000, s15;
	[sflag:s7] =	ssyncset.done $0x0  }
.LBB2_2:
0x1a: {  	s16 =	sadd.s32 s4, s16;
	s12 =	smul.u32 $0xD80000, s12;
	[sflag:s7] =	ssyncadd.s32 $0xFFFF7000  }
0x1b: {  	s17 =	smov.u32 s11;
	s11 =	smov.u32 s14;
	s19 =	smulhi.u32 $0x2AAAAAAB, s16  }
0x1c: {  	s18 =	sadd.s32 $0x1, s14;
	s13 =	sadd.s32 s13, s15  }
0x1d: {  	p0 =	sne.s32 s14, $0x17;
	s13 =	sadd.s32 s12, s13;
	s12 =	sshrl.u32 s19, $0x4  }
0x1e: {  	s13 =	sshrl.u32 s13, $0x3;
	s14 =	smul.u32 $0x60, s12  }
.Ltmp0:
0x1f: {  	s15 =	sand.u32 $0x3, s17;
	s13 =	sadd.s32 s2, s13;
	(pc) =	sbr.rel @p0 .LBB2_2-.Ltmp0, $4  }
0x20: {  	[tilespmem:s3], [sflag:$0x1] =	stream.linear.gather [hbm4b:s13+s3], $0x9000, $0x38;
	[tilespmem:$0x9080] =	vst v63  }
0x21: {  	s13 =	smul.u32 $0x9000, s15  }
0x22: {  	s14 =	ssub.s32 s16, s14;
	_ =	swait.ge [sflag:s7], $0x9000;
	s16 =	sshrl.u32 s11, $0x2  }
0x23: {  	s15 =	smul.u32 $0x24000, s14;
	[sflag:s7] =	ssyncset.done $0x0;
	s14 =	smov.u32 s18  }
0x24: {  	s14 =	sadd.s32 s4, s16;
	s12 =	smul.u32 $0xD80000, s12  }
0x25: {  	s16 =	smulhi.u32 $0x2AAAAAAB, s14;
	s13 =	sadd.s32 s13, s15  }
0x26: {  	s12 =	sadd.s32 s12, s13  }
0x27: {  	[sflag:s7] =	ssyncadd.s32 $0xFFFF7000;
	s29 =	sshrl.u32 s16, $0x4;
	s12 =	sshrl.u32 s12, $0x3  }
0x28: {  	s11 =	sand.u32 $0x3, s11;
	s30 =	smul.u32 $0x60, s29;
	s12 =	sadd.s32 s2, s12  }
0x29: {  	[tilespmem:s3], [sflag:$0x1] =	stream.linear.gather [hbm4b:s12+s3], $0x9000, $0x38;
	[tilespmem:$0x9080] =	vst v63  }
0x2a: {  	s11 =	smul.u32 $0x9000, s11;
	s31 =	ssub.s32 s14, s30  }
0x2b: {  	s12 =	smul.u32 $0x24000, s31  }
0x2c: {  	s13 =	smul.u32 $0xD80000, s29  }
0x2d: {  	s11 =	sadd.s32 s11, s12  }
0x2e: {  	_ =	swait.ge [sflag:s7], $0x9000;
	s11 =	sadd.s32 s13, s11  }
0x2f: {  	[sflag:s7] =	ssyncset.done $0x0;
	s11 =	sshrl.u32 s11, $0x3  }
0x30: {  	[sflag:s7] =	ssyncadd.s32 $0xFFFF7000;
	s11 =	sadd.s32 s2, s11  }
0x31: {  	[tilespmem:s3], [sflag:$0x1] =	stream.linear.gather [hbm4b:s11+s3], $0x9000, $0x38;
	[tilespmem:$0x9080] =	vst v63  }
0x32: {  	_ =	swait.ge [sflag:s7], $0x9000  }
0x33: {  	s10 =	sadd.s32 $0x1, s10;
	[sflag:s7] =	ssyncset.done $0x0  }
0x34: {  	p0 =	sne.s32 s10, s6;
	[sflag:s7] =	ssyncadd.s32 $0xFFFF7000  }
.Ltmp1:
0x35: {  	[tilespmem:$0x9000] =	vst v0;
	(pc) =	sbr.rel @p0 .LBB2_1-.Ltmp1, $4  }
0x36: {  	[hbm4b:s5+s3] =	stream.linear.scatter [tilespmem:s8], [sflag:$0x2], $0x80, $0x38;
	[tilespmem:$0x9080] =	vst v63  }
0x37: {  	_ =	swait.ge [sflag:s9], $0x80  }
0x38: {  	[sflag:s9] =	ssyncset.done $0x0  }
0x39: {  	[sflag:s9] =	ssyncadd.s32 $0xFFFFFF80  }
0x3a: {  	_ =	sfence.sel $0x180000  }
0x3b: {  	[bflag:$0x0] =	sbarrier.arrive $0xFFFF  }
0x3c: {  	p0 =	sne.s32 s1, $0x0;
	_ =	strace $0x90000047  }
0x3d: {  	s0 =	sadd.s32 @!p0 $0x100000, s0;
	[bflag:$0x2] =	sbarrier.arrive $0xFFFF  }
0x3e: {  	[sflag:s0] =	ssyncadd.tile.s32 @!p0 $0x1;
	_ =	shalt  }
.Lfunc_end2:
_tile_overlayer_lowered:
.L_overlay_start_2:
0x3f: {  	(tag) =	ssettag $0x2  }
0x40: {  	s0 =	rddreg [dreg:$0x0];
	s2 =	stileid.u32  }
0x41: {  	s1 =	rddreg [dreg:$0x1];
	p0 =	sne.s32 s2, $0x0  }
0x42: {  	s3 =	rddreg [dreg:$0x2];
	[bflag:$0x3] =	sbarrier.arrive $0xFFFF;
	s2 =	simm.s32 @!p0 $0x1C02  }
0x43: {  	[timem:s3], [sflag:s2] =	dma.local @!p0 [hbm:s0], s1  }
0x44: {  	s0 =	simm.s32 @!p0 $0x2  }
0x45: {  	_ =	swait.ge @!p0 [sflag:s0], s1  }
0x46: {  	s1 =	ssub.s32 @!p0 $0x0, s1;
	[sflag:s0] =	ssyncset.done @!p0 $0x0  }
0x47: {  	[sflag:s0] =	ssyncadd.s32 @!p0 s1  }
0x48: {  	[bflag:$0x3] =	sbarrier.arrive $0xFFFF  }
0x49: {  	_ =	shalt  }

</sc_bundles>
